<compile_context>
chip_gen: v7x
topology: tpu7x:2x2x1
jax: 0.10.2.dev20260603
libtpu: 0.0.44.dev20260713+nightly
codegen_flags: <defaults>
</compile_context>

<pallas_src>
import functools

import jax
import jax.numpy as jnp
from jax import lax
from jax.experimental import pallas as pl
from jax.experimental.pallas import tpu as pltpu
from jax.experimental.pallas import tpu_sc as plsc

DIM = 128
NC = 2
NS = 16
NW = NC * NS
CHUNK = 128
HBM_CHUNKS = 1
VOCAB = 1000
ROWS_PER_TILE = 64


@functools.lru_cache(maxsize=None)
def _make_kernel(B):
    b_per_w = B // NW
    n_chunks = b_per_w // CHUNK
    mesh = plsc.VectorSubcoreMesh(core_axis_name="c", subcore_axis_name="s")

    @functools.partial(
        pl.kernel,
        mesh=mesh,
        out_type=jax.ShapeDtypeStruct((B, DIM), jnp.float32),
        scratch_types=[
            pltpu.VMEM_SHARED((VOCAB, DIM), jnp.float32),
            pltpu.VMEM((b_per_w,), jnp.int32),
            pltpu.VMEM((n_chunks, CHUNK, DIM), jnp.float32),
            pltpu.SemaphoreType.DMA,
            pltpu.SemaphoreType.DMA,
            pltpu.SemaphoreType.DMA,
            pltpu.SemaphoreType.DMA,
        ],
    )
    def gather_kernel(table_hbm, idx_hbm, out_hbm, table_sh, idx_v, rows_v,
                      isem, hsem, gsem, ssem):
        cid = lax.axis_index("c")
        sid = lax.axis_index("s")
        wid = sid * NC + cid
        base = wid * b_per_w
        idx_cp = pltpu.async_copy(idx_hbm.at[pl.ds(base, b_per_w)], idx_v, isem)
        row0 = jnp.minimum(sid * ROWS_PER_TILE, VOCAB - ROWS_PER_TILE)
        row0 = pl.multiple_of(row0, 8)
        stage_cp = pltpu.async_copy(table_hbm.at[pl.ds(row0, ROWS_PER_TILE)],
                                    table_sh.at[pl.ds(row0, ROWS_PER_TILE)],
                                    gsem)
        idx_cp.wait()

        @pl.loop(0, HBM_CHUNKS)
        def _fire_hbm(j):
            pltpu.async_copy(table_hbm.at[idx_v.at[pl.ds(j * CHUNK, CHUNK)]],
                             rows_v.at[j], hsem)

        stage_cp.wait()
        plsc.subcore_barrier()

        @pl.loop(HBM_CHUNKS, n_chunks)
        def _fire(j):
            pltpu.async_copy(table_sh.at[idx_v.at[pl.ds(j * CHUNK, CHUNK)]],
                             rows_v.at[j], gsem)

        @pl.loop(0, HBM_CHUNKS)
        def _drain_hbm(j):
            pltpu.make_async_copy(table_hbm.at[idx_v.at[pl.ds(j * CHUNK, CHUNK)]],
                                  rows_v.at[j], hsem).wait()
            pltpu.async_copy(rows_v.at[j],
                             out_hbm.at[pl.ds(base + j * CHUNK, CHUNK)], ssem)

        @pl.loop(HBM_CHUNKS, n_chunks)
        def _drain(j):
            pltpu.make_async_copy(table_sh.at[idx_v.at[pl.ds(j * CHUNK, CHUNK)]],
                                  rows_v.at[j], gsem).wait()
            pltpu.async_copy(rows_v.at[j],
                             out_hbm.at[pl.ds(base + j * CHUNK, CHUNK)], ssem)

        @pl.loop(0, n_chunks)
        def _flush(j):
            pltpu.make_async_copy(rows_v.at[j],
                                  out_hbm.at[pl.ds(base + j * CHUNK, CHUNK)],
                                  ssem).wait()

    return gather_kernel


def kernel(domain_id, embedding):
    B = domain_id.shape[0]
    return _make_kernel(B)(embedding, domain_id.astype(jnp.int32))

# --- scband reference (transcript-rebuilt; emitter-appended) ---
"""Pipeline reference for scband-domain-index-embedding-89300960019101 (READ-ONLY COPY).

The authoritative reference and input builder live on the scoring server;
editing this copy changes nothing except your own understanding.
"""

import jax, jax.numpy as jnp
import numpy as np
import math

DIM = 128
MAX_DOMAINS = 1000
BATCH = 16384

def _build_embedding(dim, max_domains):
    half_dim = dim // 2
    freq = jnp.exp(-math.log(10000.0) * jnp.arange(half_dim, dtype=jnp.float32) / half_dim)
    positions = jnp.arange(max_domains, dtype=jnp.float32)[:, None]
    angles = positions * freq[None, :]
    emb = jnp.concatenate([jnp.sin(angles), jnp.cos(angles)], axis=1)
    if dim % 2 == 1:
        emb = jnp.concatenate([emb, jnp.zeros((max_domains, 1), dtype=jnp.float32)], axis=1)
    return emb

def setup_inputs(seed: int = 0) -> dict:
    key = jax.random.key(seed)
    k1, _ = jax.random.split(key)
    domain_id = jax.random.randint(k1, (BATCH,), 0, MAX_DOMAINS, dtype=jnp.int64) if jax.config.jax_enable_x64 else jax.random.randint(k1, (BATCH,), 0, MAX_DOMAINS, dtype=jnp.int32)
    embedding = _build_embedding(DIM, MAX_DOMAINS)
    return {"domain_id": domain_id, "embedding": embedding}

def reference(domain_id, embedding):
    # Faithful translation of DomainIndexEmbedding.forward: table gather.
    return jnp.take(embedding, domain_id, axis=0)

if __name__ == "__main__":
    import jax
    _d = setup_inputs()
    print(jax.jit(kernel)(*tuple(_d.values())))

</pallas_src>

<mosaic_0001>
#map = affine_map<(d0, d1) -> (0, 0)>
#map1 = affine_map<(d0, d1) -> (0)>
module attributes {stable_mosaic.version = 14 : i64} {
  func.func @gather_kernel(%arg0: i32, %arg1: i32, %arg2: memref<1000x128xf32, #tpu.memory_space<hbm>>, %arg3: memref<16384xi32, #tpu.memory_space<hbm>>, %arg4: memref<16384x128xf32, #tpu.memory_space<hbm>>, %arg5: memref<1000x128xf32, #tpu.memory_space<vmem_shared>>, %arg6: memref<512xi32, #tpu.memory_space<vmem>>, %arg7: memref<4x128x128xf32, #tpu.memory_space<vmem>>, %arg8: memref<!tpu.dma_semaphore, #tpu.memory_space<semaphore_mem>>, %arg9: memref<!tpu.dma_semaphore, #tpu.memory_space<semaphore_mem>>, %arg10: memref<!tpu.dma_semaphore, #tpu.memory_space<semaphore_mem>>, %arg11: memref<!tpu.dma_semaphore, #tpu.memory_space<semaphore_mem>>) attributes {dimension_semantics = [#tpu.dimension_semantics<core_parallel>, #tpu.dimension_semantics<subcore_parallel>], iteration_bounds = array<i64: 2, 16>, scalar_prefetch = 0 : i64, scratch_operands = 7 : i64, tpu.core_type = #tpu.core_type<sc_vector_subcore>, window_params = [{transform_indices = #map}, {transform_indices = #map1}, {transform_indices = #map}]} {
    %mul3A = arith.constant 2 : i32
    %mul3A_0 = arith.muli %arg1, %mul3A : i32
    %add3A = arith.addi %mul3A_0, %arg0 : i32
    %mul3A_1 = arith.constant 512 : i32
    %mul3A_2 = arith.muli %add3A, %mul3A_1 : i32
    %dma_start3A = tpu.memref_slice %arg3[%mul3A_2] : memref<16384xi32, #tpu.memory_space<hbm>> -> memref<512xi32, #tpu.memory_space<hbm>>
    %dma_start3A_3 = tpu.memref_slice %arg3[%mul3A_2] : memref<16384xi32, #tpu.memory_space<hbm>> -> memref<512xi32, #tpu.memory_space<hbm>>
    tpu.enqueue_dma source(%dma_start3A_3 : memref<512xi32, #tpu.memory_space<hbm>>) target(%arg6 : memref<512xi32, #tpu.memory_space<vmem>>) target_semaphore(%arg8 : memref<!tpu.dma_semaphore, #tpu.memory_space<semaphore_mem>>)
    %mul3A_4 = arith.constant 64 : i32
    %mul3A_5 = arith.muli %arg1, %mul3A_4 : i32
    %min3A = arith.constant 936 : i32
    %min3A_6 = arith.minsi %mul3A_5, %min3A : i32
    %multiple_of3A = tpu.assume_multiple %min3A_6, 8 : i32
    %dma_start3A_7 = arith.constant 0 : i32
    %dma_start3A_8 = tpu.memref_slice %arg5[%multiple_of3A, %dma_start3A_7] : memref<1000x128xf32, #tpu.memory_space<vmem_shared>> -> memref<64x128xf32, #tpu.memory_space<vmem_shared>>
    %dma_start3A_9 = arith.constant 0 : i32
    %dma_start3A_10 = tpu.memref_slice %arg2[%multiple_of3A, %dma_start3A_9] : memref<1000x128xf32, #tpu.memory_space<hbm>> -> memref<64x128xf32, #tpu.memory_space<hbm>>
    tpu.enqueue_dma source(%dma_start3A_10 : memref<64x128xf32, #tpu.memory_space<hbm>>) target(%dma_start3A_8 : memref<64x128xf32, #tpu.memory_space<vmem_shared>>) target_semaphore(%arg10 : memref<!tpu.dma_semaphore, #tpu.memory_space<semaphore_mem>>)
    %dma_wait3A = tpu.memref_slice %arg3[%mul3A_2] : memref<16384xi32, #tpu.memory_space<hbm>> -> memref<512xi32, #tpu.memory_space<hbm>>
    %dma_wait3A_11 = tpu.memref_slice %arg3[%mul3A_2] : memref<16384xi32, #tpu.memory_space<hbm>> -> memref<512xi32, #tpu.memory_space<hbm>>
    tpu.wait_dma2 semaphore(%arg8 : memref<!tpu.dma_semaphore, #tpu.memory_space<semaphore_mem>>) src(%dma_wait3A_11 : memref<512xi32, #tpu.memory_space<hbm>>) dst(%arg6 : memref<512xi32, #tpu.memory_space<vmem>>)
    %scan3A = arith.constant 0 : i32
    %mul3A_12 = arith.constant 1 : i32
    %mul3A_13 = arith.muli %scan3A, %mul3A_12 : i32
    %add3A_14 = arith.constant 0 : i32
    %add3A_15 = arith.addi %add3A_14, %mul3A_13 : i32
    %mul3A_16 = arith.constant 128 : i32
    %mul3A_17 = arith.muli %add3A_15, %mul3A_16 : i32
    %dma_start3A_18 = arith.constant 0 : i32
    %dma_start3A_19 = arith.constant 0 : i32
    %dma_start3A_20 = tpu.memref_slice %arg7[%add3A_15, %dma_start3A_18, %dma_start3A_19] : memref<4x128x128xf32, #tpu.memory_space<vmem>> -> memref<1x128x128xf32, #tpu.memory_space<vmem>>
    %dma_start3A_21 = tpu.memref_squeeze %dma_start3A_20 : memref<1x128x128xf32, #tpu.memory_space<vmem>> -> memref<128x128xf32, #tpu.memory_space<vmem>>
    %dma_start3A_22 = tpu.memref_slice %arg6[%mul3A_17] : memref<512xi32, #tpu.memory_space<vmem>> -> memref<128xi32, #tpu.memory_space<vmem>>
    %dma_start3A_23 = arith.constant 0 : i32
    %dma_start3A_24 = arith.constant 0 : i32
    %dma_start3A_25 = tpu.memref_slice %arg2[%dma_start3A_23, %dma_start3A_24] : memref<1000x128xf32, #tpu.memory_space<hbm>> -> memref<1000x128xf32, #tpu.memory_space<hbm>>
    tpu.enqueue_indirect_dma source(%dma_start3A_25 : memref<1000x128xf32, #tpu.memory_space<hbm>>) target(%dma_start3A_21 : memref<128x128xf32, #tpu.memory_space<vmem>>) offsets(%dma_start3A_22 : memref<128xi32, #tpu.memory_space<vmem>>) semaphore(%arg9 : memref<!tpu.dma_semaphore, #tpu.memory_space<semaphore_mem>>)
    %scan3A_26 = arith.constant 1 : i32
    %dma_wait3A_27 = arith.constant 0 : i32
    %dma_wait3A_28 = tpu.memref_slice %arg5[%multiple_of3A, %dma_wait3A_27] : memref<1000x128xf32, #tpu.memory_space<vmem_shared>> -> memref<64x128xf32, #tpu.memory_space<vmem_shared>>
    %dma_wait3A_29 = arith.constant 0 : i32
    %dma_wait3A_30 = tpu.memref_slice %arg2[%multiple_of3A, %dma_wait3A_29] : memref<1000x128xf32, #tpu.memory_space<hbm>> -> memref<64x128xf32, #tpu.memory_space<hbm>>
    tpu.wait_dma2 semaphore(%arg10 : memref<!tpu.dma_semaphore, #tpu.memory_space<semaphore_mem>>) src(%dma_wait3A_30 : memref<64x128xf32, #tpu.memory_space<hbm>>) dst(%dma_wait3A_28 : memref<64x128xf32, #tpu.memory_space<vmem_shared>>)
    %barrier3A = arith.constant 0 : index
    tpu.barrier barrier_id(%barrier3A)
    %scan3A_31 = arith.constant 0 : i32
    %scan3A_32 = arith.constant 3 : i32
    %scan3A_33 = arith.addi %scan3A_31, %scan3A_32 : i32
    %scan3A_34 = arith.constant 1 : i32
    scf.for %scan3A_77 = %scan3A_31 to %scan3A_33 step %scan3A_34  : i32 {
      %mul3A_78 = arith.constant 1 : i32
      %mul3A_79 = arith.muli %scan3A_77, %mul3A_78 : i32
      %add3A_80 = arith.constant 1 : i32
      %add3A_81 = arith.addi %add3A_80, %mul3A_79 : i32
      %mul3A_82 = arith.constant 128 : i32
      %mul3A_83 = arith.muli %add3A_81, %mul3A_82 : i32
      %dma_start3A_84 = arith.constant 0 : i32
      %dma_start3A_85 = arith.constant 0 : i32
      %dma_start3A_86 = tpu.memref_slice %arg7[%add3A_81, %dma_start3A_84, %dma_start3A_85] : memref<4x128x128xf32, #tpu.memory_space<vmem>> -> memref<1x128x128xf32, #tpu.memory_space<vmem>>
      %dma_start3A_87 = tpu.memref_squeeze %dma_start3A_86 : memref<1x128x128xf32, #tpu.memory_space<vmem>> -> memref<128x128xf32, #tpu.memory_space<vmem>>
      %dma_start3A_88 = tpu.memref_slice %arg6[%mul3A_83] : memref<512xi32, #tpu.memory_space<vmem>> -> memref<128xi32, #tpu.memory_space<vmem>>
      %dma_start3A_89 = arith.constant 0 : i32
      %dma_start3A_90 = arith.constant 0 : i32
      %dma_start3A_91 = tpu.memref_slice %arg5[%dma_start3A_89, %dma_start3A_90] : memref<1000x128xf32, #tpu.memory_space<vmem_shared>> -> memref<1000x128xf32, #tpu.memory_space<vmem_shared>>
      tpu.enqueue_indirect_dma source(%dma_start3A_91 : memref<1000x128xf32, #tpu.memory_space<vmem_shared>>) target(%dma_start3A_87 : memref<128x128xf32, #tpu.memory_space<vmem>>) offsets(%dma_start3A_88 : memref<128xi32, #tpu.memory_space<vmem>>) semaphore(%arg10 : memref<!tpu.dma_semaphore, #tpu.memory_space<semaphore_mem>>)
    }
    %scan3A_35 = arith.constant 3 : i32
    %scan3A_36 = arith.constant 0 : i32
    %mul3A_37 = arith.constant 1 : i32
    %mul3A_38 = arith.muli %scan3A_36, %mul3A_37 : i32
    %add3A_39 = arith.constant 0 : i32
    %add3A_40 = arith.addi %add3A_39, %mul3A_38 : i32
    %mul3A_41 = arith.constant 128 : i32
    %mul3A_42 = arith.muli %add3A_40, %mul3A_41 : i32
    %dma_wait3A_43 = arith.constant 0 : i32
    %dma_wait3A_44 = arith.constant 0 : i32
    %dma_wait3A_45 = tpu.memref_slice %arg7[%add3A_40, %dma_wait3A_43, %dma_wait3A_44] : memref<4x128x128xf32, #tpu.memory_space<vmem>> -> memref<1x128x128xf32, #tpu.memory_space<vmem>>
    %dma_wait3A_46 = tpu.memref_squeeze %dma_wait3A_45 : memref<1x128x128xf32, #tpu.memory_space<vmem>> -> memref<128x128xf32, #tpu.memory_space<vmem>>
    %dma_wait3A_47 = tpu.memref_slice %arg6[%mul3A_42] : memref<512xi32, #tpu.memory_space<vmem>> -> memref<128xi32, #tpu.memory_space<vmem>>
    %dma_wait3A_48 = arith.constant 0 : i32
    %dma_wait3A_49 = arith.constant 0 : i32
    %dma_wait3A_50 = tpu.memref_slice %arg2[%dma_wait3A_48, %dma_wait3A_49] : memref<1000x128xf32, #tpu.memory_space<hbm>> -> memref<1000x128xf32, #tpu.memory_space<hbm>>
    tpu.wait_indirect_dma semaphore(%arg9 : memref<!tpu.dma_semaphore, #tpu.memory_space<semaphore_mem>>) src(%dma_wait3A_50 : memref<1000x128xf32, #tpu.memory_space<hbm>>) dst(%dma_wait3A_46 : memref<128x128xf32, #tpu.memory_space<vmem>>)
    %mul3A_51 = arith.constant 128 : i32
    %mul3A_52 = arith.muli %add3A_40, %mul3A_51 : i32
    %add3A_53 = arith.addi %mul3A_2, %mul3A_52 : i32
    %dma_start3A_54 = arith.constant 0 : i32
    %dma_start3A_55 = arith.constant 0 : i32
    %dma_start3A_56 = tpu.memref_slice %arg7[%add3A_40, %dma_start3A_54, %dma_start3A_55] : memref<4x128x128xf32, #tpu.memory_space<vmem>> -> memref<1x128x128xf32, #tpu.memory_space<vmem>>
    %dma_start3A_57 = tpu.memref_squeeze %dma_start3A_56 : memref<1x128x128xf32, #tpu.memory_space<vmem>> -> memref<128x128xf32, #tpu.memory_space<vmem>>
    %dma_start3A_58 = arith.constant 0 : i32
    %dma_start3A_59 = tpu.memref_slice %arg4[%add3A_53, %dma_start3A_58] : memref<16384x128xf32, #tpu.memory_space<hbm>> -> memref<128x128xf32, #tpu.memory_space<hbm>>
    %dma_start3A_60 = arith.constant 0 : i32
    %dma_start3A_61 = tpu.memref_slice %arg4[%add3A_53, %dma_start3A_60] : memref<16384x128xf32, #tpu.memory_space<hbm>> -> memref<128x128xf32, #tpu.memory_space<hbm>>
    %dma_start3A_62 = arith.constant 0 : i32
    %dma_start3A_63 = arith.constant 0 : i32
    %dma_start3A_64 = tpu.memref_slice %arg7[%add3A_40, %dma_start3A_62, %dma_start3A_63] : memref<4x128x128xf32, #tpu.memory_space<vmem>> -> memref<1x128x128xf32, #tpu.memory_space<vmem>>
    %dma_start3A_65 = tpu.memref_squeeze %dma_start3A_64 : memref<1x128x128xf32, #tpu.memory_space<vmem>> -> memref<128x128xf32, #tpu.memory_space<vmem>>
    tpu.enqueue_dma source(%dma_start3A_65 : memref<128x128xf32, #tpu.memory_space<vmem>>) target(%dma_start3A_61 : memref<128x128xf32, #tpu.memory_space<hbm>>) target_semaphore(%arg11 : memref<!tpu.dma_semaphore, #tpu.memory_space<semaphore_mem>>)
    %scan3A_66 = arith.constant 1 : i32
    %scan3A_67 = arith.constant 0 : i32
    %scan3A_68 = arith.constant 3 : i32
    %scan3A_69 = arith.addi %scan3A_67, %scan3A_68 : i32
    %scan3A_70 = arith.constant 1 : i32
    scf.for %scan3A_77 = %scan3A_67 to %scan3A_69 step %scan3A_70  : i32 {
      %mul3A_78 = arith.constant 1 : i32
      %mul3A_79 = arith.muli %scan3A_77, %mul3A_78 : i32
      %add3A_80 = arith.constant 1 : i32
      %add3A_81 = arith.addi %add3A_80, %mul3A_79 : i32
      %mul3A_82 = arith.constant 128 : i32
      %mul3A_83 = arith.muli %add3A_81, %mul3A_82 : i32
      %dma_wait3A_84 = arith.constant 0 : i32
      %dma_wait3A_85 = arith.constant 0 : i32
      %dma_wait3A_86 = tpu.memref_slice %arg7[%add3A_81, %dma_wait3A_84, %dma_wait3A_85] : memref<4x128x128xf32, #tpu.memory_space<vmem>> -> memref<1x128x128xf32, #tpu.memory_space<vmem>>
      %dma_wait3A_87 = tpu.memref_squeeze %dma_wait3A_86 : memref<1x128x128xf32, #tpu.memory_space<vmem>> -> memref<128x128xf32, #tpu.memory_space<vmem>>
      %dma_wait3A_88 = tpu.memref_slice %arg6[%mul3A_83] : memref<512xi32, #tpu.memory_space<vmem>> -> memref<128xi32, #tpu.memory_space<vmem>>
      %dma_wait3A_89 = arith.constant 0 : i32
      %dma_wait3A_90 = arith.constant 0 : i32
      %dma_wait3A_91 = tpu.memref_slice %arg5[%dma_wait3A_89, %dma_wait3A_90] : memref<1000x128xf32, #tpu.memory_space<vmem_shared>> -> memref<1000x128xf32, #tpu.memory_space<vmem_shared>>
      tpu.wait_indirect_dma semaphore(%arg10 : memref<!tpu.dma_semaphore, #tpu.memory_space<semaphore_mem>>) src(%dma_wait3A_91 : memref<1000x128xf32, #tpu.memory_space<vmem_shared>>) dst(%dma_wait3A_87 : memref<128x128xf32, #tpu.memory_space<vmem>>)
      %mul3A_92 = arith.constant 128 : i32
      %mul3A_93 = arith.muli %add3A_81, %mul3A_92 : i32
      %add3A_94 = arith.addi %mul3A_2, %mul3A_93 : i32
      %dma_start3A_95 = arith.constant 0 : i32
      %dma_start3A_96 = arith.constant 0 : i32
      %dma_start3A_97 = tpu.memref_slice %arg7[%add3A_81, %dma_start3A_95, %dma_start3A_96] : memref<4x128x128xf32, #tpu.memory_space<vmem>> -> memref<1x128x128xf32, #tpu.memory_space<vmem>>
      %dma_start3A_98 = tpu.memref_squeeze %dma_start3A_97 : memref<1x128x128xf32, #tpu.memory_space<vmem>> -> memref<128x128xf32, #tpu.memory_space<vmem>>
      %dma_start3A_99 = arith.constant 0 : i32
      %dma_start3A_100 = tpu.memref_slice %arg4[%add3A_94, %dma_start3A_99] : memref<16384x128xf32, #tpu.memory_space<hbm>> -> memref<128x128xf32, #tpu.memory_space<hbm>>
      %dma_start3A_101 = arith.constant 0 : i32
      %dma_start3A_102 = tpu.memref_slice %arg4[%add3A_94, %dma_start3A_101] : memref<16384x128xf32, #tpu.memory_space<hbm>> -> memref<128x128xf32, #tpu.memory_space<hbm>>
      %dma_start3A_103 = arith.constant 0 : i32
      %dma_start3A_104 = arith.constant 0 : i32
      %dma_start3A_105 = tpu.memref_slice %arg7[%add3A_81, %dma_start3A_103, %dma_start3A_104] : memref<4x128x128xf32, #tpu.memory_space<vmem>> -> memref<1x128x128xf32, #tpu.memory_space<vmem>>
      %dma_start3A_106 = tpu.memref_squeeze %dma_start3A_105 : memref<1x128x128xf32, #tpu.memory_space<vmem>> -> memref<128x128xf32, #tpu.memory_space<vmem>>
      tpu.enqueue_dma source(%dma_start3A_106 : memref<128x128xf32, #tpu.memory_space<vmem>>) target(%dma_start3A_102 : memref<128x128xf32, #tpu.memory_space<hbm>>) target_semaphore(%arg11 : memref<!tpu.dma_semaphore, #tpu.memory_space<semaphore_mem>>)
    }
    %scan3A_71 = arith.constant 3 : i32
    %scan3A_72 = arith.constant 0 : i32
    %scan3A_73 = arith.constant 4 : i32
    %scan3A_74 = arith.addi %scan3A_72, %scan3A_73 : i32
    %scan3A_75 = arith.constant 1 : i32
    scf.for %scan3A_77 = %scan3A_72 to %scan3A_74 step %scan3A_75  : i32 {
      %mul3A_78 = arith.constant 1 : i32
      %mul3A_79 = arith.muli %scan3A_77, %mul3A_78 : i32
      %add3A_80 = arith.constant 0 : i32
      %add3A_81 = arith.addi %add3A_80, %mul3A_79 : i32
      %mul3A_82 = arith.constant 128 : i32
      %mul3A_83 = arith.muli %add3A_81, %mul3A_82 : i32
      %add3A_84 = arith.addi %mul3A_2, %mul3A_83 : i32
      %dma_wait3A_85 = arith.constant 0 : i32
      %dma_wait3A_86 = arith.constant 0 : i32
      %dma_wait3A_87 = tpu.memref_slice %arg7[%add3A_81, %dma_wait3A_85, %dma_wait3A_86] : memref<4x128x128xf32, #tpu.memory_space<vmem>> -> memref<1x128x128xf32, #tpu.memory_space<vmem>>
      %dma_wait3A_88 = tpu.memref_squeeze %dma_wait3A_87 : memref<1x128x128xf32, #tpu.memory_space<vmem>> -> memref<128x128xf32, #tpu.memory_space<vmem>>
      %dma_wait3A_89 = arith.constant 0 : i32
      %dma_wait3A_90 = tpu.memref_slice %arg4[%add3A_84, %dma_wait3A_89] : memref<16384x128xf32, #tpu.memory_space<hbm>> -> memref<128x128xf32, #tpu.memory_space<hbm>>
      %dma_wait3A_91 = arith.constant 0 : i32
      %dma_wait3A_92 = tpu.memref_slice %arg4[%add3A_84, %dma_wait3A_91] : memref<16384x128xf32, #tpu.memory_space<hbm>> -> memref<128x128xf32, #tpu.memory_space<hbm>>
      %dma_wait3A_93 = arith.constant 0 : i32
      %dma_wait3A_94 = arith.constant 0 : i32
      %dma_wait3A_95 = tpu.memref_slice %arg7[%add3A_81, %dma_wait3A_93, %dma_wait3A_94] : memref<4x128x128xf32, #tpu.memory_space<vmem>> -> memref<1x128x128xf32, #tpu.memory_space<vmem>>
      %dma_wait3A_96 = tpu.memref_squeeze %dma_wait3A_95 : memref<1x128x128xf32, #tpu.memory_space<vmem>> -> memref<128x128xf32, #tpu.memory_space<vmem>>
      tpu.wait_dma2 semaphore(%arg11 : memref<!tpu.dma_semaphore, #tpu.memory_space<semaphore_mem>>) src(%dma_wait3A_96 : memref<128x128xf32, #tpu.memory_space<vmem>>) dst(%dma_wait3A_92 : memref<128x128xf32, #tpu.memory_space<hbm>>)
    }
    %scan3A_76 = arith.constant 4 : i32
    return
  }
}

</mosaic_0001>

<sc_bundles>
// kernel: kernel.3.cloned.1.call-start
scs
__scs_entry_jumppad:
0x0: {  	(pc) =	sbr.rel $0x88, $3  }
0x1: {  	(tag) =	ssettag $0x0;
	lr =	simm.s32 $0x1  }
0x2: {  	[smem:$0x3F9F] =	sst lr;
	_ =	strace $0xD0000000  }
0x3: {  	_ = 	snop  }
0x4: {  	_ = 	snop  }
0x5: {  	_ = 	snop  }
0x6: {  	_ = 	snop  }
0x7: {  	_ = 	snop  }
__scs_overlays_trampoline_lowered:
0x8: {  	[smem:$0x3FAE] =	sst s0  }
0x9: {  	[smem:$0x3FAF] =	sst s1  }
0xa: {  	[smem:$0x3FB0] =	sst s2  }
0xb: {  	[smem:$0x3FB1] =	sst s3  }
0xc: {  	[smem:$0x3FB2] =	sst s4  }
0xd: {  	[smem:$0x3FB3] =	sst s5  }
0xe: {  	[smem:$0x3FB4] =	sst s6  }
0xf: {  	[smem:$0x3FB5] =	sst s7  }
0x10: {  	[smem:$0x3FB6] =	sst s8  }
0x11: {  	[smem:$0x3FB7] =	sst s9;
	s0 =	simm.s32 @!p0 $0x0  }
0x12: {  	s1 =	sld [smem:$0x3F9D];
	s0 =	simm.s32 @p0 $0x1  }
0x13: {  	[smem:$0x3FB8] =	sst s0;
	s0 =	simm.s32 @!p1 $0x0  }
0x14: {  	s2 =	sld [smem:$0x3F9C];
	s0 =	simm.s32 @p1 $0x1  }
0x15: {  	[smem:$0x3FB9] =	sst s0;
	s0 =	simm.s32 @!p2 $0x0  }
0x16: {  	s3 =	sld [smem:$0x3FDB];
	s0 =	simm.s32 @p2 $0x1  }
0x17: {  	s4 =	simm.s32 $0x1BF5;
	[smem:$0x3FBB] =	sst s0  }
0x18: {  	s0 =	sld [smem:$0x3F9E];
	_ =	swait.ge [sflag:s4], $0x0  }
0x19: {  	s7 =	sld [smem:$0x3F9F]  }
0x1a: {  	s8 =	sadd.s32 $0xFFFFE003, lr  }
0x1b: {  	s9 =	sadd.s32 $0xFFFFFEF7, lr;
	s5 =	simm.s32 $0xFFFFFFFF;
	p2 =	slt.u32 s8, $0xFFFFF086  }
0x1c: {  	p1 =	slt.u32 s9, $0xF7A;
	s5 =	simm.s32 @!p2 $0x0  }
0x1d: {  	s5 =	simm.s32 @p1 $0x1;
	p0 =	seq.s32 s7, s2  }
0x1e: {  	s7 =	smul.u32 @!p0 $0xF7A, s2;
	p2 =	seq.s32 @!p0 s5, $0x0  }
0x1f: {  	s9 =	smul.u32 $0xF7A, s1;
	s8 =	simm.s32 @!p0 $0x1BF5;
	p2 =	por !p2, p0  }
0x20: {  	[sflag:s8] =	ssyncset.s32 @!p0 $0xFFFFF086;
	s6 =	sadd.s32 @!p0 s3, s7;
	s7 =	simm.s32 @!p0 $0x108  }
0x21: {  	s3 =	sadd.s32 s3, s9;
	s6 =	sadd.s32 @!p0 $0x88, s6;
	s7 =	simm.s32 @p2 $0x1082  }
0x22: {  	[simem:s7], [sflag:s8] =	dma.local @!p0 [hbm:s6], $0xF7A  }
0x23: {  	s9 =	sor.u32 $0xD0000000, s2;
	s6 =	simm.s32 $0x108;
	_ =	swait.ge @!p0 [sflag:s8], $0x0  }
0x24: {  	s3 =	sadd.s32 $0x88, s3;
	s6 =	simm.s32 @!p1 $0x1082;
	[sflag:s4] =	ssyncset.s32 $0xFFFFF086  }
0x25: {  	[simem:s6], [sflag:s4] =	dma.local [hbm:s3], $0xF7A  }
0x26: {  	[smem:$0x3F9F] =	sst s1;
	(tag) =	ssettag s2;
	_ =	strace s9  }
0x27: {  	s1 =	sld [smem:$0x3FAF]  }
0x28: {  	s2 =	sld [smem:$0x3FB0]  }
0x29: {  	s4 =	sld [smem:$0x3FB2]  }
0x2a: {  	p0 =	seq.s32 s5, $0x0;
	s5 =	sld [smem:$0x3FB3]  }
0x2b: {  	s6 =	sld [smem:$0x3FB4]  }
0x2c: {  	s7 =	sld [smem:$0x3FB5]  }
0x2d: {  	s3 =	simm.s32 $0x108;
	s8 =	sld [smem:$0x3FB6]  }
0x2e: {  	s3 =	simm.s32 @!p0 $0x1082;
	s9 =	sld [smem:$0x3FB7]  }
0x2f: {  	lr =	sadd.s32 s0, s3;
	s0 =	sld [smem:$0x3FAE]  }
0x30: {  	s3 =	sld [smem:$0x3FB1]  }
0x31: {  	[smem:$0x3FBA] =	sst s10  }
0x32: {  	s10 =	sld [smem:$0x3FB8];
	_ =	sdelay $0x3  }
0x33: {  	p0 =	seq.s32 s10, $0x1;
	s10 =	sld [smem:$0x3FBA];
	_ =	sdelay $0x3  }
0x34: {  	[smem:$0x3FBA] =	sst s10  }
0x35: {  	s10 =	sld [smem:$0x3FB9];
	_ =	sdelay $0x3  }
0x36: {  	p1 =	seq.s32 s10, $0x1;
	s10 =	sld [smem:$0x3FBA];
	_ =	sdelay $0x3  }
0x37: {  	[smem:$0x3FBA] =	sst s10  }
0x38: {  	s10 =	sld [smem:$0x3FBB]  }
0x39: {  	_ = 	snop;
	(pc) =	sbr.ind lr, $3  }
0x3a: {  	_ = 	snop  }
0x3b: {  	_ = 	snop  }
0x3c: {  	p2 =	seq.s32 s10, $0x1;
	s10 =	sld [smem:$0x3FBA]  }
0x3d: {  	_ =	shalt  }
0x3e: {  	_ =	shalt  }
0x3f: {  	_ =	shalt  }
0x40: {  	_ =	shalt  }
0x41: {  	_ =	shalt  }
0x42: {  	_ =	shalt  }
0x43: {  	_ =	shalt  }
0x44: {  	_ =	shalt  }
0x45: {  	_ =	shalt  }
0x46: {  	_ =	shalt  }
0x47: {  	_ =	shalt  }
0x48: {  	_ =	shalt  }
0x49: {  	_ =	shalt  }
0x4a: {  	_ =	shalt  }
0x4b: {  	_ =	shalt  }
0x4c: {  	_ =	shalt  }
0x4d: {  	_ =	shalt  }
0x4e: {  	_ =	shalt  }
0x4f: {  	_ =	shalt  }
0x50: {  	_ =	shalt  }
0x51: {  	_ =	shalt  }
0x52: {  	_ =	shalt  }
0x53: {  	_ =	shalt  }
0x54: {  	_ =	shalt  }
0x55: {  	_ =	shalt  }
0x56: {  	_ =	shalt  }
0x57: {  	_ =	shalt  }
0x58: {  	_ =	shalt  }
0x59: {  	_ =	shalt  }
0x5a: {  	_ =	shalt  }
0x5b: {  	_ =	shalt  }
0x5c: {  	_ =	shalt  }
0x5d: {  	_ =	shalt  }
0x5e: {  	_ =	shalt  }
0x5f: {  	_ =	shalt  }
0x60: {  	_ =	shalt  }
0x61: {  	_ =	shalt  }
0x62: {  	_ =	shalt  }
0x63: {  	_ =	shalt  }
0x64: {  	_ =	shalt  }
0x65: {  	_ =	shalt  }
0x66: {  	_ =	shalt  }
0x67: {  	_ =	shalt  }
0x68: {  	_ =	shalt  }
0x69: {  	_ =	shalt  }
0x6a: {  	_ =	shalt  }
0x6b: {  	_ =	shalt  }
0x6c: {  	_ =	shalt  }
0x6d: {  	_ =	shalt  }
0x6e: {  	_ =	shalt  }
0x6f: {  	_ =	shalt  }
0x70: {  	_ =	shalt  }
0x71: {  	_ =	shalt  }
0x72: {  	_ =	shalt  }
0x73: {  	_ =	shalt  }
0x74: {  	_ =	shalt  }
0x75: {  	_ =	shalt  }
0x76: {  	_ =	shalt  }
0x77: {  	_ =	shalt  }
0x78: {  	_ =	shalt  }
0x79: {  	_ =	shalt  }
0x7a: {  	_ =	shalt  }
0x7b: {  	_ =	shalt  }
0x7c: {  	_ =	shalt  }
0x7d: {  	_ =	shalt  }
0x7e: {  	_ =	shalt  }
0x7f: {  	_ =	shalt  }
0x80: {  	_ =	shalt  }
0x81: {  	_ =	shalt  }
0x82: {  	_ =	shalt  }
0x83: {  	_ =	shalt  }
0x84: {  	_ =	shalt  }
0x85: {  	_ =	shalt  }
0x86: {  	_ =	shalt  }
0x87: {  	_ =	shalt  }
.Lfunc_end0:
.L_simem_size_0:
called_computation_lowered:
.L_overlay_start_0:
0x88: {  	s2 =	sld [smem:$0x3FD9]  }
0x89: {  	s3 =	sld [smem:$0x3FFE];
	_ =	sdelay $0x1  }
0x8a: {  	s1 =	srdreg.scid  }
0x8b: {  	s0 =	sand.u32 $0x1, s1  }
0x8c: {  	s18 =	sshll.u32 s0, $0xA;
	s2 =	sadd.s32 s3, s2  }
0x8d: {  	s2 =	sadd.s32 s2, s18  }
0x8e: {  	[smem:$0x3FC6] =	sst s2  }
0x8f: {  	_ = 	snop  }
0x90: {  	s2 =	sld [smem:$0x3FC9]  }
0x91: {  	s19 =	sld [smem:$0x3FC8]  }
0x92: {  	s4 =	sld [smem:$0x3FD0];
	(tm) =	ssettm $0x1  }
0x93: {  	s5 =	sld [smem:$0x3FFB];
	_ =	sdelay $0x3  }
0x94: {  	_ =	strace s5  }
0x95: {  	s5 =	sld [smem:$0x3FFC];
	_ =	sdelay $0x3  }
0x96: {  	_ =	strace s5  }
0x97: {  	s5 =	sld [smem:$0x3FFD];
	_ =	sdelay $0x3  }
0x98: {  	_ =	strace s5  }
0x99: {  	_ =	strace $0x8FFFFFFF  }
0x9a: {  	s20 =	sld [smem:$0x3FDB];
	_ =	sdelay $0x1  }
0x9b: {  	s6 =	simm.s32 $_scs_section_size  }
0x9c: {  	s7 =	simm.s32 $_size__tile_overlayer_lowered;
	s8 =	simm.s32 $_tile_overlayer_lowered  }
0x9d: {  	s23 =	simm.s32 $0x1BFF;
	s22 =	sshll.u32 s8, $0x1;
	s5 =	sadd.s32 s6, s20  }
0x9e: {  	s9 =	simm.s32 $0x0;
	s21 =	sshll.u32 s7, $0x1;
	s7 =	sadd.s32 s22, s5  }
0x9f: {  	[timem:s9], [sflag:s23] =	dma.local [hbm:s7], s21  }
0xa0: {  	_ =	swait.ge [sflag:s23], s21  }
0xa1: {  	s6 =	ssub.s32 $0x0, s21;
	[sflag:s23] =	ssyncset.done $0x0  }
0xa2: {  	[sflag:s23] =	ssyncadd.s32 s6;
	_ =	sdelay $0x1  }
0xa3: {  	s24 =	simm.s32 $0x1B8B  }
0xa4: {  	_ =	swait.ge [sflag:s24], $0x1  }
0xa5: {  	[sflag:s24] =	ssyncset.done $0x0  }
0xa6: {  	s25 =	simm.s32 $0x1B8E;
	[sflag:s24] =	ssyncadd.s32 $0xFFFFFFFF  }
0xa7: {  	s26 =	simm.s32 $execute0_lowered;
	[smem:$0x3FD2] =	sst s25  }
0xa8: {  	s6 =	sshll.u32 s26, $0x1;
	_ =	strace $0x80000046;
	[dreg:$0x1] =	wrdreg $0xFFFFFFFF  }
0xa9: {  	s28 =	simm.s32 $_size_execute0_lowered;
	s5 =	sadd.s32 s5, s6;
	[dreg:$0x0] =	wrdreg $0x0  }
0xaa: {  	s6 =	sshll.u32 s28, $0x1;
	[dreg:$0x2] =	wrdreg s5  }
0xab: {  	[dreg:$0x3] =	wrdreg s6  }
0xac: {  	[dreg:$0x4] =	wrdreg $0xC0  }
0xad: {  	_ =	task [dreg:s9], $0x5FFFF  }
0xae: {  	[dreg:$0x1] =	wrdreg $0xFFFFFFFF  }
0xaf: {  	[dreg:$0x0] =	wrdreg $0x60  }
0xb0: {  	[dreg:$0x2] =	wrdreg s19  }
0xb1: {  	[dreg:$0x3] =	wrdreg s2  }
0xb2: {  	[dreg:$0x4] =	wrdreg s4  }
0xb3: {  	[dreg:$0x5] =	wrdreg $0x0  }
0xb4: {  	[dreg:$0x6] =	wrdreg $0x9  }
0xb5: {  	_ =	task.clear_ibuf [dreg:s9], $0x7FFFF;
	_ =	strace $0x90000046  }
0xb6: {  	s29 =	simm.s32 $0x9;
	_ =	strace $0x80000048  }
0xb7: {  	_ =	swait.ge [sflag:s29], $0x1  }
0xb8: {  	[sflag:s29] =	ssyncadd.s32 $0xFFFFFFFF  }
0xb9: {  	_ =	strace $0x90000048  }
0xba: {  	_ =	sfence  }
0xbb: {  	s30 =	sld [smem:$0x0];
	_ =	sdelay $0x2  }
0xbc: {  	s31 =	sshll.u32 s1, $0xD;
	s1 =	sshrl.u32 s1, $0x2  }
0xbd: {  	s3 =	sand.u32 $0x4000, s31;
	s1 =	sadd.s32 s1, s30  }
0xbe: {  	s0 =	sor.u32 s3, s0;
	s1 =	sshll.u32 s1, $0x11  }
0xbf: {  	s0 =	sor.u32 s1, s0  }
0xc0: {  	s0 =	sadd.s32 $0x8F2B, s0  }
0xc1: {  	[sflag:s0] =	ssyncadd.remote.s32 $0x1  }
0xc2: {  	_ =	sfence.sel $0xFFFF  }
0xc3: {  	[dreg:$0x0] =	wrdreg $0xFFFFFFFF;
	(pc) =	sbr.abs _section_cstart, $3  }
0xc4: {  	[dreg:$0x1] =	wrdreg $0xFFFFFFFF  }
0xc5: {  	_ =	task.clear_ibuf [dreg:s9], $0x2FFFF;
	_ =	strace $0x9FFFFFFF  }
0xc6: {  	(tm) =	ssettm $0x7FFFFFFF  }
0xc7: {  	_ =	shalt  }
tec
execute0_lowered:
.L_overlay_start_1:
0x0: {  	(tag) =	ssettag $0x1  }
0x1: {  	s1 =	rddreg [dreg:$0x0]  }
0x2: {  	s5 =	rddreg [dreg:$0x1]  }
0x3: {  	s21 =	rddreg [dreg:$0x2]  }
0x4: {  	s3 =	rddreg [dreg:$0x3];
	s4 =	srdreg.scid  }
0x5: {  	s0 =	rddreg [dreg:$0x4];
	s2 =	stileid.u32;
	s10 =	simm.s32 $0x1  }
0x6: {  	s26 =	sand.u32 $0x1, s4;
	s4 =	simm.s32 $0x0;
	s6 =	sshll.u32 s2, $0xA  }
0x7: {  	s30 =	sshll.u32 s2, $0x6;
	s7 =	sshll.u32 s26, $0x9;
	[smem:$0x7FF] =	sst s4  }
0x8: {  	s8 =	smin.u32 s30, $0x3A8;
	s22 =	sor.u32 s7, s6;
	_ =	strace $0x80000047  }
0x9: {  	s31 =	sshll.u32 s8, $0x7;
	s8 =	sshll.u32 s8, $0x4;
	s6 =	sshrl.u32 s22, $0x3  }
0xa: {  	s7 =	sor.u32 $0x1C03, s30;
	s9 =	sadd.s32 s31, s3;
	s5 =	sadd.s32 s5, s6  }
0xb: {  	s6 =	sadd.s32 s1, s8;
	s8 =	simm.s32 $0x1F40;
	s9 =	sshrl.u32 s9, $0x3  }
0xc: {  	[tilespmem:s8], [sflag:$0x1] =	stream.linear.gather [hbm4b:s5+s4], $0x200, $0x38;
	[tilespmem:$0x12140] =	vst v63  }
0xd: {  	[spmem:s9], [sflag:s7] =	dma.local [hbm:s6], $0x400  }
0xe: {  	_ =	swait.ge [sflag:s10], $0x200  }
0xf: {  	s11 =	simm.s32 $0x80;
	[sflag:s10] =	ssyncset.done $0x0  }
0x10: {  	s12 =	simm.s32 $0x2140;
	s13 =	simm.s32 $0x3;
	[sflag:s10] =	ssyncadd.s32 $0xFFFFFE00  }
0x11: {  	[tilespmem:s12], [sflag:$0x2] =	stream.indirect.gather [hbm4b:s1+s11], $0x80, s8, s11, $0xb8;
	[tilespmem:$0x12140] =	vst v63  }
0x12: {  	_ =	swait.ge [sflag:s13], $0x400  }
0x13: {  	[sflag:s13] =	ssyncset.done $0x0  }
0x14: {  	[sflag:s13] =	ssyncadd.s32 $0xFFFFFC00  }
0x15: {  	s14 =	simm.s32 $0x1FC0;
	s15 =	simm.s32 $0x6140;
	[bflag:$0x0] =	sbarrier.arrive $0xFFFF  }
0x16: {  	[tilespmem:s15], [sflag:$0x3] =	stream.indirect.gather [spmem:s3], $0x80, s14, s11, $0xb8;
	[tilespmem:$0x12140] =	vst v63  }
0x17: {  	s16 =	simm.s32 $0x2040;
	s17 =	simm.s32 $0xA140  }
0x18: {  	[tilespmem:s17], [sflag:$0x3] =	stream.indirect.gather [spmem:s3], $0x80, s16, s11, $0xb8;
	[tilespmem:$0x12140] =	vst v63  }
0x19: {  	s18 =	simm.s32 $0x20C0;
	s19 =	simm.s32 $0xE140;
	s20 =	simm.s32 $0x2  }
0x1a: {  	[tilespmem:s19], [sflag:$0x3] =	stream.indirect.gather [spmem:s3], $0x80, s18, s11, $0xb8;
	[tilespmem:$0x12140] =	vst v63  }
0x1b: {  	_ =	swait.ge [sflag:s20], $0x4000  }
0x1c: {  	s22 =	sshll.u32 s22, $0x4;
	[sflag:s20] =	ssyncset.done $0x0  }
0x1d: {  	s21 =	sadd.s32 s21, s22;
	[sflag:s20] =	ssyncadd.s32 $0xFFFFC000  }
0x1e: {  	[hbm4b:s21+s4] =	stream.linear.scatter [tilespmem:s12], [sflag:$0x4], $0x4000, $0x38;
	[tilespmem:$0x12140] =	vst v63  }
0x1f: {  	_ =	swait.ge [sflag:s13], $0x4000  }
0x20: {  	[sflag:s13] =	ssyncset.done $0x0  }
0x21: {  	s22 =	sadd.s32 $0x800, s21;
	[sflag:s13] =	ssyncadd.s32 $0xFFFFC000  }
0x22: {  	[hbm4b:s22+s4] =	stream.linear.scatter [tilespmem:s15], [sflag:$0x4], $0x4000, $0x38;
	[tilespmem:$0x12140] =	vst v63  }
0x23: {  	_ =	swait.ge [sflag:s13], $0x4000  }
0x24: {  	[sflag:s13] =	ssyncset.done $0x0  }
0x25: {  	s23 =	sadd.s32 $0x1000, s21;
	[sflag:s13] =	ssyncadd.s32 $0xFFFFC000  }
0x26: {  	[hbm4b:s23+s4] =	stream.linear.scatter [tilespmem:s17], [sflag:$0x4], $0x4000, $0x38;
	[tilespmem:$0x12140] =	vst v63  }
0x27: {  	_ =	swait.ge [sflag:s13], $0x4000  }
0x28: {  	[sflag:s13] =	ssyncset.done $0x0  }
0x29: {  	s25 =	simm.s32 $0x4;
	s24 =	sadd.s32 $0x1800, s21;
	[sflag:s13] =	ssyncadd.s32 $0xFFFFC000  }
0x2a: {  	[hbm4b:s24+s4] =	stream.linear.scatter [tilespmem:s19], [sflag:$0x4], $0x4000, $0x38;
	[tilespmem:$0x12140] =	vst v63  }
0x2b: {  	_ =	swait.ge [sflag:s25], $0x4000  }
0x2c: {  	s26 =	ssub.s32 $0x2, s26;
	[sflag:s25] =	ssyncset.done $0x0  }
0x2d: {  	s28 =	sshrl.u32 s26, $0x1;
	[sflag:s25] =	ssyncadd.s32 $0xFFFFC000  }
0x2e: {  	s26 =	ssub.s32 s26, s28;
	_ =	swait.ge [sflag:s25], $0x4000  }
0x2f: {  	s26 =	smax.u32 s26, $0x1;
	[sflag:s25] =	ssyncset.done $0x0  }
0x30: {  	p0 =	sne.s32 s26, $0x1;
	[sflag:s25] =	ssyncadd.s32 $0xFFFFC000  }
.Ltmp0:
0x31: {  	_ =	swait.ge [sflag:s25], $0x4000;
	(pc) =	sbr.rel @!p0 .LBB2_2-.Ltmp0, $4  }
0x32: {  	[sflag:s25] =	ssyncset.done $0x0  }
0x33: {  	[sflag:s25] =	ssyncadd.s32 $0xFFFFC000  }
0x34: {  	_ =	swait.ge [sflag:s25], $0x4000  }
0x35: {  	s26 =	sadd.s32 $0xFFFFFFFF, s26;
	[sflag:s25] =	ssyncset.done $0x0  }
.LBB2_1:
0x36: {  	p0 =	sne.s32 s26, $0x1;
	s26 =	sadd.s32 $0xFFFFFFFF, s26;
	[sflag:s25] =	ssyncadd.s32 $0xFFFFC000  }
0x37: {  	[tilespmem:s8], [sflag:$0x1] =	stream.linear.gather [hbm4b:s5+s4], $0x200, $0x38;
	[tilespmem:$0x12140] =	vst v63  }
0x38: {  	[spmem:s9], [sflag:s7] =	dma.local [hbm:s6], $0x400  }
0x39: {  	_ =	swait.ge [sflag:s10], $0x200  }
0x3a: {  	[sflag:s10] =	ssyncset.done $0x0  }
0x3b: {  	[sflag:s10] =	ssyncadd.s32 $0xFFFFFE00  }
0x3c: {  	[tilespmem:s12], [sflag:$0x2] =	stream.indirect.gather [hbm4b:s1+s11], $0x80, s8, s11, $0xb8;
	[tilespmem:$0x12140] =	vst v63  }
0x3d: {  	_ =	swait.ge [sflag:s13], $0x400  }
0x3e: {  	[sflag:s13] =	ssyncset.done $0x0  }
0x3f: {  	[sflag:s13] =	ssyncadd.s32 $0xFFFFFC00  }
0x40: {  	[bflag:$0x0] =	sbarrier.arrive $0xFFFF  }
0x41: {  	[tilespmem:s15], [sflag:$0x3] =	stream.indirect.gather [spmem:s3], $0x80, s14, s11, $0xb8;
	[tilespmem:$0x12140] =	vst v63  }
0x42: {  	_ = 	snop  }
0x43: {  	[tilespmem:s17], [sflag:$0x3] =	stream.indirect.gather [spmem:s3], $0x80, s16, s11, $0xb8;
	[tilespmem:$0x12140] =	vst v63  }
0x44: {  	_ = 	snop  }
0x45: {  	[tilespmem:s19], [sflag:$0x3] =	stream.indirect.gather [spmem:s3], $0x80, s18, s11, $0xb8;
	[tilespmem:$0x12140] =	vst v63  }
0x46: {  	_ =	swait.ge [sflag:s20], $0x4000  }
0x47: {  	[sflag:s20] =	ssyncset.done $0x0  }
0x48: {  	[sflag:s20] =	ssyncadd.s32 $0xFFFFC000  }
0x49: {  	[hbm4b:s21+s4] =	stream.linear.scatter [tilespmem:s12], [sflag:$0x4], $0x4000, $0x38;
	[tilespmem:$0x12140] =	vst v63  }
0x4a: {  	_ =	swait.ge [sflag:s13], $0x4000  }
0x4b: {  	[sflag:s13] =	ssyncset.done $0x0  }
0x4c: {  	[sflag:s13] =	ssyncadd.s32 $0xFFFFC000  }
0x4d: {  	[hbm4b:s22+s4] =	stream.linear.scatter [tilespmem:s15], [sflag:$0x4], $0x4000, $0x38;
	[tilespmem:$0x12140] =	vst v63  }
0x4e: {  	_ =	swait.ge [sflag:s13], $0x4000  }
0x4f: {  	[sflag:s13] =	ssyncset.done $0x0  }
0x50: {  	[sflag:s13] =	ssyncadd.s32 $0xFFFFC000  }
0x51: {  	[hbm4b:s23+s4] =	stream.linear.scatter [tilespmem:s17], [sflag:$0x4], $0x4000, $0x38;
	[tilespmem:$0x12140] =	vst v63  }
0x52: {  	_ =	swait.ge [sflag:s13], $0x4000  }
0x53: {  	[sflag:s13] =	ssyncset.done $0x0  }
0x54: {  	[sflag:s13] =	ssyncadd.s32 $0xFFFFC000  }
0x55: {  	[hbm4b:s24+s4] =	stream.linear.scatter [tilespmem:s19], [sflag:$0x4], $0x4000, $0x38;
	[tilespmem:$0x12140] =	vst v63  }
0x56: {  	_ =	swait.ge [sflag:s25], $0x4000  }
0x57: {  	[sflag:s25] =	ssyncset.done $0x0  }
0x58: {  	[sflag:s25] =	ssyncadd.s32 $0xFFFFC000  }
0x59: {  	_ =	swait.ge [sflag:s25], $0x4000  }
0x5a: {  	[sflag:s25] =	ssyncset.done $0x0  }
0x5b: {  	[sflag:s25] =	ssyncadd.s32 $0xFFFFC000  }
.Ltmp1:
0x5c: {  	_ =	swait.ge [sflag:s25], $0x4000;
	(pc) =	sbr.rel @p0 .LBB2_1-.Ltmp1, $4  }
0x5d: {  	[sflag:s25] =	ssyncset.done $0x0  }
0x5e: {  	[sflag:s25] =	ssyncadd.s32 $0xFFFFC000  }
0x5f: {  	_ =	swait.ge [sflag:s25], $0x4000  }
0x60: {  	[sflag:s25] =	ssyncset.done $0x0  }
.LBB2_2:
0x61: {  	[sflag:s25] =	ssyncadd.s32 $0xFFFFC000  }
0x62: {  	_ =	sfence.sel $0x180000  }
0x63: {  	[bflag:$0x0] =	sbarrier.arrive $0xFFFF  }
0x64: {  	p0 =	sne.s32 s2, $0x0;
	_ =	strace $0x90000047  }
0x65: {  	s0 =	sadd.s32 @!p0 $0x100000, s0;
	[bflag:$0x2] =	sbarrier.arrive $0xFFFF  }
0x66: {  	[sflag:s0] =	ssyncadd.tile.s32 @!p0 $0x1;
	_ =	shalt  }
.Lfunc_end2:
_tile_overlayer_lowered:
.L_overlay_start_2:
0x67: {  	(tag) =	ssettag $0x2  }
0x68: {  	s0 =	rddreg [dreg:$0x0];
	s2 =	stileid.u32  }
0x69: {  	s1 =	rddreg [dreg:$0x1];
	p0 =	sne.s32 s2, $0x0  }
0x6a: {  	s3 =	rddreg [dreg:$0x2];
	[bflag:$0x3] =	sbarrier.arrive $0xFFFF;
	s2 =	simm.s32 @!p0 $0x1C05  }
0x6b: {  	[timem:s3], [sflag:s2] =	dma.local @!p0 [hbm:s0], s1  }
0x6c: {  	s0 =	simm.s32 @!p0 $0x5  }
0x6d: {  	_ =	swait.ge @!p0 [sflag:s0], s1  }
0x6e: {  	s1 =	ssub.s32 @!p0 $0x0, s1;
	[sflag:s0] =	ssyncset.done @!p0 $0x0  }
0x6f: {  	[sflag:s0] =	ssyncadd.s32 @!p0 s1  }
0x70: {  	[bflag:$0x3] =	sbarrier.arrive $0xFFFF  }
0x71: {  	_ =	shalt  }

</sc_bundles>
